<compile_context>
chip_gen: v7x
topology: tpu7x:2x2x1
jax: 0.10.2.dev20260603
libtpu: 0.0.44.dev20260713+nightly
codegen_flags: <defaults>
</compile_context>

<pallas_src>
import functools

import jax
import jax.numpy as jnp
from jax import lax
from jax.experimental import pallas as pl
from jax.experimental.pallas import tpu as pltpu
from jax.experimental.pallas import tpu_sc as plsc

VERTEXES = 100000
EDGES = 1600000

NUM_CORES = 2
NUM_SUBCORES = 16

V_SLICE = 6256
V_PAD = V_SLICE * NUM_SUBCORES

CHUNK = 10000
E_PER_TEC = EDGES // NUM_SUBCORES
N_CHUNKS = E_PER_TEC // CHUNK

_LANES = 16

_MESH = plsc.VectorSubcoreMesh(core_axis_name="c", subcore_axis_name="s",
                               num_cores=NUM_CORES, num_subcores=NUM_SUBCORES)


@functools.partial(
    pl.kernel,
    out_type=(jax.ShapeDtypeStruct((EDGES,), jnp.float32),
              jax.ShapeDtypeStruct((EDGES,), jnp.float32)),
    mesh=_MESH,
    scratch_types=(
        pltpu.VMEM_SHARED((V_PAD,), jnp.float32),
        pltpu.VMEM((E_PER_TEC,), jnp.int32),
        pltpu.VMEM((CHUNK,), jnp.float32),
        pltpu.VMEM((V_SLICE,), jnp.float32),
        pltpu.SemaphoreType.DMA,
    ),
)
def _incidence_values(recv_hbm, send_hbm, fwd_hbm, bwd_hbm,
                      hist, ids, val_buf, slice_buf, sem):
    c = lax.axis_index("c")
    s = lax.axis_index("s")

    def _role_body(col_hbm, out_hbm):
        def _fill(i, _):
            val_buf[pl.ds(i * _LANES, _LANES)] = jnp.full(
                (_LANES,), 1.0, jnp.float32)
            return 0
        lax.fori_loop(0, CHUNK // _LANES, _fill, 0)

        def _zero(i, _):
            slice_buf[pl.ds(i * _LANES, _LANES)] = jnp.zeros(
                (_LANES,), jnp.float32)
            return 0
        lax.fori_loop(0, V_SLICE // _LANES, _zero, 0)
        voff = s * V_SLICE
        pltpu.sync_copy(slice_buf, hist.at[pl.ds(voff, V_SLICE)])

        ebase = s * E_PER_TEC
        pltpu.sync_copy(col_hbm.at[pl.ds(ebase, E_PER_TEC)], ids)
        plsc.subcore_barrier()

        def _hist(k, _):
            pltpu.sync_copy(val_buf, hist.at[ids.at[pl.ds(k * CHUNK, CHUNK)]],
                            add=True)
            return 0
        lax.fori_loop(0, N_CHUNKS, _hist, 0)
        plsc.subcore_barrier()

        pltpu.sync_copy(hist.at[pl.ds(voff, V_SLICE)], slice_buf)

        def _recip(i, _):
            slice_buf[pl.ds(i * _LANES, _LANES)] = (
                1.0 / slice_buf[pl.ds(i * _LANES, _LANES)])
            return 0
        lax.fori_loop(0, V_SLICE // _LANES, _recip, 0)
        pltpu.sync_copy(slice_buf, hist.at[pl.ds(voff, V_SLICE)])
        plsc.subcore_barrier()

        def _gath(k, _):
            base = ebase + k * CHUNK
            pltpu.async_copy(hist.at[ids.at[pl.ds(k * CHUNK, CHUNK)]],
                             val_buf, sem).wait()
            pltpu.sync_copy(val_buf, out_hbm.at[pl.ds(base, CHUNK)])
            return 0
        lax.fori_loop(0, N_CHUNKS, _gath, 0)

    @pl.when(c == 0)
    def _():
        _role_body(recv_hbm, fwd_hbm)

    @pl.when(c == 1)
    def _():
        _role_body(send_hbm, bwd_hbm)


def kernel(X):
    t = jnp.transpose(X)
    receivers = t[2]
    senders = t[0]
    fwd_values, bwd_values = _incidence_values(receivers, senders)
    message_indices = jnp.arange(EDGES, dtype=X.dtype)
    return (receivers, message_indices, fwd_values,
            senders, message_indices, bwd_values)

# --- scband reference (transcript-rebuilt; emitter-appended) ---
"""Pipeline reference for scband-representation-45792941310460 (READ-ONLY COPY).

The authoritative reference and input builder live on the scoring server;
editing this copy changes nothing except your own understanding.
"""

import jax, jax.numpy as jnp
import numpy as np

VERTEX_COUNT = 100000
LABEL_COUNT = 16


def setup_inputs(seed: int = 0) -> dict:
    key = jax.random.key(seed)
    k1, k2, k3 = jax.random.split(key, 3)
    E = 1600000
    senders = jax.random.randint(k1, (E,), 0, VERTEX_COUNT, dtype=jnp.int64 if jax.config.jax_enable_x64 else jnp.int32)
    relations = jax.random.randint(k2, (E,), 0, LABEL_COUNT, dtype=senders.dtype)
    receivers = jax.random.randint(k3, (E,), 0, VERTEX_COUNT, dtype=senders.dtype)
    # triples X: [E, 3] with columns (sender, message_type, receiver)
    X = jnp.stack([senders, relations, receivers], axis=1)
    return {"X": X}


def _segment_softmax_values(values, seg_ids, num_segments):
    # softmax over sparse rows: per segment (row) softmax of the values
    seg_max = jax.ops.segment_max(values, seg_ids, num_segments=num_segments)
    # replace -inf (empty segments) with 0 to avoid NaNs
    seg_max = jnp.where(jnp.isfinite(seg_max), seg_max, 0.0)
    shifted = values - seg_max[seg_ids]
    ex = jnp.exp(shifted)
    denom = jax.ops.segment_sum(ex, seg_ids, num_segments=num_segments)
    denom = jnp.where(denom == 0.0, 1.0, denom)
    return ex / denom[seg_ids]


def reference(X):
    # MessageGraph.process: transpose triplets
    t = jnp.transpose(X)
    sender_indices = t[0]
    message_types = t[1]
    receiver_indices = t[2]
    edge_count = sender_indices.shape[0]

    # Representation uses normalization='global'.
    # forward_incidence_matrix('global'): sparse [V, E] with ones at
    # (receiver, edge), then sparse row-softmax -> per-receiver softmax
    fwd_ones = jnp.ones((edge_count,), dtype=jnp.float32)
    fwd_values = _segment_softmax_values(fwd_ones, receiver_indices, VERTEX_COUNT)

    # backward_incidence_matrix('global'): same but rows = senders
    bwd_ones = jnp.ones((edge_count,), dtype=jnp.float32)
    bwd_values = _segment_softmax_values(bwd_ones, sender_indices, VERTEX_COUNT)

    # Return the sparse tensors as (row_ids, col_ids, values) value arrays;
    # col ids are just arange(edge_count) for both.
    message_indices = jnp.arange(edge_count)
    return (receiver_indices, message_indices, fwd_values,
            sender_indices, message_indices, bwd_values)

if __name__ == "__main__":
    import jax
    _d = setup_inputs()
    print(jax.jit(kernel)(*tuple(_d.values())))

</pallas_src>

<mosaic_0001>
#map = affine_map<(d0, d1) -> (0)>
module attributes {stable_mosaic.version = 14 : i64} {
  func.func @_incidence_values(%arg0: i32, %arg1: i32, %arg2: memref<1600000xi32, #tpu.memory_space<hbm>>, %arg3: memref<1600000xi32, #tpu.memory_space<hbm>>, %arg4: memref<1600000xf32, #tpu.memory_space<hbm>>, %arg5: memref<1600000xf32, #tpu.memory_space<hbm>>, %arg6: memref<100096xf32, #tpu.memory_space<vmem_shared>>, %arg7: memref<100000xi32, #tpu.memory_space<vmem>>, %arg8: memref<10000xf32, #tpu.memory_space<vmem>>, %arg9: memref<6256xf32, #tpu.memory_space<vmem>>, %arg10: memref<!tpu.dma_semaphore, #tpu.memory_space<semaphore_mem>>) attributes {dimension_semantics = [#tpu.dimension_semantics<core_parallel>, #tpu.dimension_semantics<subcore_parallel>], iteration_bounds = array<i64: 2, 16>, scalar_prefetch = 0 : i64, scratch_operands = 5 : i64, tpu.core_type = #tpu.core_type<sc_vector_subcore>, window_params = [{transform_indices = #map}, {transform_indices = #map}, {transform_indices = #map}, {transform_indices = #map}]} {
    %eq3A = arith.constant 0 : i32
    %eq3A_0 = arith.cmpi eq, %arg0, %eq3A : i32
    %convert_element_type3A = arith.extui %eq3A_0 : i1 to i32
    %cond3A = arith.constant 0 : i32
    %cond3A_1 = arith.cmpi ne, %convert_element_type3A, %cond3A : i32
    scf.if %cond3A_1 {
      %scan3A = arith.constant 0 : i32
      %scan3A_7 = arith.constant 0 : i32
      %scan3A_8 = arith.constant 625 : i32
      %scan3A_9 = arith.addi %scan3A_7, %scan3A_8 : i32
      %scan3A_10 = arith.constant 1 : i32
      %scan3A_11 = scf.for %scan3A_46 = %scan3A_7 to %scan3A_9 step %scan3A_10 iter_args(%scan3A_47 = %scan3A) -> (i32)  : i32 {
        %broadcast_in_dim3A = arith.constant 1.000000e+00 : f32
        %broadcast_in_dim3A_48 = vector.broadcast %broadcast_in_dim3A : f32 to vector<16xf32>
        %mul3A_49 = arith.constant 16 : i32
        %mul3A_50 = arith.muli %scan3A_46, %mul3A_49 : i32
        %swap3A = arith.index_cast %mul3A_50 : i32 to index
        %swap3A_51 = tpu.vector_load %arg8[%swap3A] {strides = array<i32>} : memref<10000xf32, #tpu.memory_space<vmem>>, vector<16xf32>,
        %swap3A_52 = vector.shape_cast %swap3A_51 : vector<16xf32> to vector<16xf32>
        %swap3A_53 = vector.shape_cast %broadcast_in_dim3A_48 : vector<16xf32> to vector<16xf32>
        tpu.vector_store %arg8[%swap3A], %swap3A_53 {strides = array<i32>} : memref<10000xf32, #tpu.memory_space<vmem>>, vector<16xf32>,
        %scan3A_54 = arith.constant 0 : i32
        scf.yield %scan3A_54 : i32
      }
      %scan3A_12 = arith.constant 625 : i32
      %scan3A_13 = arith.constant 0 : i32
      %scan3A_14 = arith.constant 0 : i32
      %scan3A_15 = arith.constant 391 : i32
      %scan3A_16 = arith.addi %scan3A_14, %scan3A_15 : i32
      %scan3A_17 = arith.constant 1 : i32
      %scan3A_18 = scf.for %scan3A_46 = %scan3A_14 to %scan3A_16 step %scan3A_17 iter_args(%scan3A_47 = %scan3A_13) -> (i32)  : i32 {
        %broadcast_in_dim3A = arith.constant 0.000000e+00 : f32
        %broadcast_in_dim3A_48 = vector.broadcast %broadcast_in_dim3A : f32 to vector<16xf32>
        %mul3A_49 = arith.constant 16 : i32
        %mul3A_50 = arith.muli %scan3A_46, %mul3A_49 : i32
        %swap3A = arith.index_cast %mul3A_50 : i32 to index
        %swap3A_51 = tpu.vector_load %arg9[%swap3A] {strides = array<i32>} : memref<6256xf32, #tpu.memory_space<vmem>>, vector<16xf32>,
        %swap3A_52 = vector.shape_cast %swap3A_51 : vector<16xf32> to vector<16xf32>
        %swap3A_53 = vector.shape_cast %broadcast_in_dim3A_48 : vector<16xf32> to vector<16xf32>
        tpu.vector_store %arg9[%swap3A], %swap3A_53 {strides = array<i32>} : memref<6256xf32, #tpu.memory_space<vmem>>, vector<16xf32>,
        %scan3A_54 = arith.constant 0 : i32
        scf.yield %scan3A_54 : i32
      }
      %scan3A_19 = arith.constant 391 : i32
      %mul3A = arith.constant 6256 : i32
      %mul3A_20 = arith.muli %arg1, %mul3A : i32
      "tpu.region"() ({
        %run_scoped3A = tpu.sem_alloc : memref<!tpu.dma_semaphore, #tpu.memory_space<semaphore_mem>>
        %dma_start3A = tpu.memref_slice %arg6[%mul3A_20] : memref<100096xf32, #tpu.memory_space<vmem_shared>> -> memref<6256xf32, #tpu.memory_space<vmem_shared>>
        %dma_start3A_46 = tpu.memref_slice %arg6[%mul3A_20] : memref<100096xf32, #tpu.memory_space<vmem_shared>> -> memref<6256xf32, #tpu.memory_space<vmem_shared>>
        tpu.enqueue_dma source(%arg9 : memref<6256xf32, #tpu.memory_space<vmem>>) target(%dma_start3A_46 : memref<6256xf32, #tpu.memory_space<vmem_shared>>) target_semaphore(%run_scoped3A : memref<!tpu.dma_semaphore, #tpu.memory_space<semaphore_mem>>)
        %dma_wait3A = tpu.memref_slice %arg6[%mul3A_20] : memref<100096xf32, #tpu.memory_space<vmem_shared>> -> memref<6256xf32, #tpu.memory_space<vmem_shared>>
        %dma_wait3A_47 = tpu.memref_slice %arg6[%mul3A_20] : memref<100096xf32, #tpu.memory_space<vmem_shared>> -> memref<6256xf32, #tpu.memory_space<vmem_shared>>
        tpu.wait_dma2 semaphore(%run_scoped3A : memref<!tpu.dma_semaphore, #tpu.memory_space<semaphore_mem>>) src(%arg9 : memref<6256xf32, #tpu.memory_space<vmem>>) dst(%dma_wait3A_47 : memref<6256xf32, #tpu.memory_space<vmem_shared>>)
        tpu.yield
      }) : () -> ()
      %mul3A_21 = arith.constant 100000 : i32
      %mul3A_22 = arith.muli %arg1, %mul3A_21 : i32
      "tpu.region"() ({
        %run_scoped3A = tpu.sem_alloc : memref<!tpu.dma_semaphore, #tpu.memory_space<semaphore_mem>>
        %dma_start3A = tpu.memref_slice %arg2[%mul3A_22] : memref<1600000xi32, #tpu.memory_space<hbm>> -> memref<100000xi32, #tpu.memory_space<hbm>>
        %dma_start3A_46 = tpu.memref_slice %arg2[%mul3A_22] : memref<1600000xi32, #tpu.memory_space<hbm>> -> memref<100000xi32, #tpu.memory_space<hbm>>
        tpu.enqueue_dma source(%dma_start3A_46 : memref<100000xi32, #tpu.memory_space<hbm>>) target(%arg7 : memref<100000xi32, #tpu.memory_space<vmem>>) target_semaphore(%run_scoped3A : memref<!tpu.dma_semaphore, #tpu.memory_space<semaphore_mem>>)
        %dma_wait3A = tpu.memref_slice %arg2[%mul3A_22] : memref<1600000xi32, #tpu.memory_space<hbm>> -> memref<100000xi32, #tpu.memory_space<hbm>>
        %dma_wait3A_47 = tpu.memref_slice %arg2[%mul3A_22] : memref<1600000xi32, #tpu.memory_space<hbm>> -> memref<100000xi32, #tpu.memory_space<hbm>>
        tpu.wait_dma2 semaphore(%run_scoped3A : memref<!tpu.dma_semaphore, #tpu.memory_space<semaphore_mem>>) src(%dma_wait3A_47 : memref<100000xi32, #tpu.memory_space<hbm>>) dst(%arg7 : memref<100000xi32, #tpu.memory_space<vmem>>)
        tpu.yield
      }) : () -> ()
      %barrier3A = arith.constant 0 : index
      tpu.barrier barrier_id(%barrier3A)
      %scan3A_23 = arith.constant 0 : i32
      %scan3A_24 = arith.constant 0 : i32
      %scan3A_25 = arith.constant 10 : i32
      %scan3A_26 = arith.addi %scan3A_24, %scan3A_25 : i32
      %scan3A_27 = arith.constant 1 : i32
      %scan3A_28 = scf.for %scan3A_46 = %scan3A_24 to %scan3A_26 step %scan3A_27 iter_args(%scan3A_47 = %scan3A_23) -> (i32)  : i32 {
        %mul3A_48 = arith.constant 10000 : i32
        %mul3A_49 = arith.muli %scan3A_46, %mul3A_48 : i32
        "tpu.region"() ({
          %run_scoped3A = tpu.sem_alloc : memref<!tpu.dma_semaphore, #tpu.memory_space<semaphore_mem>>
          %dma_start3A = tpu.memref_slice %arg7[%mul3A_49] : memref<100000xi32, #tpu.memory_space<vmem>> -> memref<10000xi32, #tpu.memory_space<vmem>>
          %dma_start3A_51 = arith.constant 0 : i32
          %dma_start3A_52 = tpu.memref_slice %arg6[%dma_start3A_51] : memref<100096xf32, #tpu.memory_space<vmem_shared>> -> memref<100096xf32, #tpu.memory_space<vmem_shared>>
          tpu.enqueue_indirect_dma source(%arg8 : memref<10000xf32, #tpu.memory_space<vmem>>) target(%dma_start3A_52 : memref<100096xf32, #tpu.memory_space<vmem_shared>>) offsets(%dma_start3A : memref<10000xi32, #tpu.memory_space<vmem>>) semaphore(%run_scoped3A : memref<!tpu.dma_semaphore, #tpu.memory_space<semaphore_mem>>) {add = true}
          %dma_wait3A = tpu.memref_slice %arg7[%mul3A_49] : memref<100000xi32, #tpu.memory_space<vmem>> -> memref<10000xi32, #tpu.memory_space<vmem>>
          %dma_wait3A_53 = arith.constant 0 : i32
          %dma_wait3A_54 = tpu.memref_slice %arg6[%dma_wait3A_53] : memref<100096xf32, #tpu.memory_space<vmem_shared>> -> memref<100096xf32, #tpu.memory_space<vmem_shared>>
          tpu.wait_indirect_dma semaphore(%run_scoped3A : memref<!tpu.dma_semaphore, #tpu.memory_space<semaphore_mem>>) src(%arg8 : memref<10000xf32, #tpu.memory_space<vmem>>) dst(%dma_wait3A_54 : memref<100096xf32, #tpu.memory_space<vmem_shared>>)
          tpu.yield
        }) : () -> ()
        %scan3A_50 = arith.constant 0 : i32
        scf.yield %scan3A_50 : i32
      }
      %scan3A_29 = arith.constant 10 : i32
      %barrier3A_30 = arith.constant 0 : index
      tpu.barrier barrier_id(%barrier3A_30)
      "tpu.region"() ({
        %run_scoped3A = tpu.sem_alloc : memref<!tpu.dma_semaphore, #tpu.memory_space<semaphore_mem>>
        %dma_start3A = tpu.memref_slice %arg6[%mul3A_20] : memref<100096xf32, #tpu.memory_space<vmem_shared>> -> memref<6256xf32, #tpu.memory_space<vmem_shared>>
        %dma_start3A_46 = tpu.memref_slice %arg6[%mul3A_20] : memref<100096xf32, #tpu.memory_space<vmem_shared>> -> memref<6256xf32, #tpu.memory_space<vmem_shared>>
        tpu.enqueue_dma source(%dma_start3A_46 : memref<6256xf32, #tpu.memory_space<vmem_shared>>) target(%arg9 : memref<6256xf32, #tpu.memory_space<vmem>>) target_semaphore(%run_scoped3A : memref<!tpu.dma_semaphore, #tpu.memory_space<semaphore_mem>>)
        %dma_wait3A = tpu.memref_slice %arg6[%mul3A_20] : memref<100096xf32, #tpu.memory_space<vmem_shared>> -> memref<6256xf32, #tpu.memory_space<vmem_shared>>
        %dma_wait3A_47 = tpu.memref_slice %arg6[%mul3A_20] : memref<100096xf32, #tpu.memory_space<vmem_shared>> -> memref<6256xf32, #tpu.memory_space<vmem_shared>>
        tpu.wait_dma2 semaphore(%run_scoped3A : memref<!tpu.dma_semaphore, #tpu.memory_space<semaphore_mem>>) src(%dma_wait3A_47 : memref<6256xf32, #tpu.memory_space<vmem_shared>>) dst(%arg9 : memref<6256xf32, #tpu.memory_space<vmem>>)
        tpu.yield
      }) : () -> ()
      %scan3A_31 = arith.constant 0 : i32
      %scan3A_32 = arith.constant 0 : i32
      %scan3A_33 = arith.constant 391 : i32
      %scan3A_34 = arith.addi %scan3A_32, %scan3A_33 : i32
      %scan3A_35 = arith.constant 1 : i32
      %scan3A_36 = scf.for %scan3A_46 = %scan3A_32 to %scan3A_34 step %scan3A_35 iter_args(%scan3A_47 = %scan3A_31) -> (i32)  : i32 {
        %mul3A_48 = arith.constant 16 : i32
        %mul3A_49 = arith.muli %scan3A_46, %mul3A_48 : i32
        %get3A = arith.index_cast %mul3A_49 : i32 to index
        %get3A_50 = tpu.vector_load %arg9[%get3A] {strides = array<i32>} : memref<6256xf32, #tpu.memory_space<vmem>>, vector<16xf32>,
        %get3A_51 = vector.shape_cast %get3A_50 : vector<16xf32> to vector<16xf32>
        %div3A = arith.constant 1.000000e+00 : f32
        %div3A_52 = vector.broadcast %div3A : f32 to vector<16xf32>
        %div3A_53 = arith.divf %div3A_52, %get3A_51 : vector<16xf32>
        %mul3A_54 = arith.constant 16 : i32
        %mul3A_55 = arith.muli %scan3A_46, %mul3A_54 : i32
        %swap3A = arith.index_cast %mul3A_55 : i32 to index
        %swap3A_56 = tpu.vector_load %arg9[%swap3A] {strides = array<i32>} : memref<6256xf32, #tpu.memory_space<vmem>>, vector<16xf32>,
        %swap3A_57 = vector.shape_cast %swap3A_56 : vector<16xf32> to vector<16xf32>
        %swap3A_58 = vector.shape_cast %div3A_53 : vector<16xf32> to vector<16xf32>
        tpu.vector_store %arg9[%swap3A], %swap3A_58 {strides = array<i32>} : memref<6256xf32, #tpu.memory_space<vmem>>, vector<16xf32>,
        %scan3A_59 = arith.constant 0 : i32
        scf.yield %scan3A_59 : i32
      }
      %scan3A_37 = arith.constant 391 : i32
      "tpu.region"() ({
        %run_scoped3A = tpu.sem_alloc : memref<!tpu.dma_semaphore, #tpu.memory_space<semaphore_mem>>
        %dma_start3A = tpu.memref_slice %arg6[%mul3A_20] : memref<100096xf32, #tpu.memory_space<vmem_shared>> -> memref<6256xf32, #tpu.memory_space<vmem_shared>>
        %dma_start3A_46 = tpu.memref_slice %arg6[%mul3A_20] : memref<100096xf32, #tpu.memory_space<vmem_shared>> -> memref<6256xf32, #tpu.memory_space<vmem_shared>>
        tpu.enqueue_dma source(%arg9 : memref<6256xf32, #tpu.memory_space<vmem>>) target(%dma_start3A_46 : memref<6256xf32, #tpu.memory_space<vmem_shared>>) target_semaphore(%run_scoped3A : memref<!tpu.dma_semaphore, #tpu.memory_space<semaphore_mem>>)
        %dma_wait3A = tpu.memref_slice %arg6[%mul3A_20] : memref<100096xf32, #tpu.memory_space<vmem_shared>> -> memref<6256xf32, #tpu.memory_space<vmem_shared>>
        %dma_wait3A_47 = tpu.memref_slice %arg6[%mul3A_20] : memref<100096xf32, #tpu.memory_space<vmem_shared>> -> memref<6256xf32, #tpu.memory_space<vmem_shared>>
        tpu.wait_dma2 semaphore(%run_scoped3A : memref<!tpu.dma_semaphore, #tpu.memory_space<semaphore_mem>>) src(%arg9 : memref<6256xf32, #tpu.memory_space<vmem>>) dst(%dma_wait3A_47 : memref<6256xf32, #tpu.memory_space<vmem_shared>>)
        tpu.yield
      }) : () -> ()
      %barrier3A_38 = arith.constant 0 : index
      tpu.barrier barrier_id(%barrier3A_38)
      %scan3A_39 = arith.constant 0 : i32
      %scan3A_40 = arith.constant 0 : i32
      %scan3A_41 = arith.constant 10 : i32
      %scan3A_42 = arith.addi %scan3A_40, %scan3A_41 : i32
      %scan3A_43 = arith.constant 1 : i32
      %scan3A_44 = scf.for %scan3A_46 = %scan3A_40 to %scan3A_42 step %scan3A_43 iter_args(%scan3A_47 = %scan3A_39) -> (i32)  : i32 {
        %mul3A_48 = arith.constant 10000 : i32
        %mul3A_49 = arith.muli %scan3A_46, %mul3A_48 : i32
        %add3A = arith.addi %mul3A_22, %mul3A_49 : i32
        %mul3A_50 = arith.constant 10000 : i32
        %mul3A_51 = arith.muli %scan3A_46, %mul3A_50 : i32
        %dma_start3A = tpu.memref_slice %arg7[%mul3A_51] : memref<100000xi32, #tpu.memory_space<vmem>> -> memref<10000xi32, #tpu.memory_space<vmem>>
        %dma_start3A_52 = arith.constant 0 : i32
        %dma_start3A_53 = tpu.memref_slice %arg6[%dma_start3A_52] : memref<100096xf32, #tpu.memory_space<vmem_shared>> -> memref<100096xf32, #tpu.memory_space<vmem_shared>>
        tpu.enqueue_indirect_dma source(%dma_start3A_53 : memref<100096xf32, #tpu.memory_space<vmem_shared>>) target(%arg8 : memref<10000xf32, #tpu.memory_space<vmem>>) offsets(%dma_start3A : memref<10000xi32, #tpu.memory_space<vmem>>) semaphore(%arg10 : memref<!tpu.dma_semaphore, #tpu.memory_space<semaphore_mem>>)
        %dma_wait3A = tpu.memref_slice %arg7[%mul3A_51] : memref<100000xi32, #tpu.memory_space<vmem>> -> memref<10000xi32, #tpu.memory_space<vmem>>
        %dma_wait3A_54 = arith.constant 0 : i32
        %dma_wait3A_55 = tpu.memref_slice %arg6[%dma_wait3A_54] : memref<100096xf32, #tpu.memory_space<vmem_shared>> -> memref<100096xf32, #tpu.memory_space<vmem_shared>>
        tpu.wait_indirect_dma semaphore(%arg10 : memref<!tpu.dma_semaphore, #tpu.memory_space<semaphore_mem>>) src(%dma_wait3A_55 : memref<100096xf32, #tpu.memory_space<vmem_shared>>) dst(%arg8 : memref<10000xf32, #tpu.memory_space<vmem>>)
        "tpu.region"() ({
          %run_scoped3A = tpu.sem_alloc : memref<!tpu.dma_semaphore, #tpu.memory_space<semaphore_mem>>
          %dma_start3A_57 = tpu.memref_slice %arg4[%add3A] : memref<1600000xf32, #tpu.memory_space<hbm>> -> memref<10000xf32, #tpu.memory_space<hbm>>
          %dma_start3A_58 = tpu.memref_slice %arg4[%add3A] : memref<1600000xf32, #tpu.memory_space<hbm>> -> memref<10000xf32, #tpu.memory_space<hbm>>
          tpu.enqueue_dma source(%arg8 : memref<10000xf32, #tpu.memory_space<vmem>>) target(%dma_start3A_58 : memref<10000xf32, #tpu.memory_space<hbm>>) target_semaphore(%run_scoped3A : memref<!tpu.dma_semaphore, #tpu.memory_space<semaphore_mem>>)
          %dma_wait3A_59 = tpu.memref_slice %arg4[%add3A] : memref<1600000xf32, #tpu.memory_space<hbm>> -> memref<10000xf32, #tpu.memory_space<hbm>>
          %dma_wait3A_60 = tpu.memref_slice %arg4[%add3A] : memref<1600000xf32, #tpu.memory_space<hbm>> -> memref<10000xf32, #tpu.memory_space<hbm>>
          tpu.wait_dma2 semaphore(%run_scoped3A : memref<!tpu.dma_semaphore, #tpu.memory_space<semaphore_mem>>) src(%arg8 : memref<10000xf32, #tpu.memory_space<vmem>>) dst(%dma_wait3A_60 : memref<10000xf32, #tpu.memory_space<hbm>>)
          tpu.yield
        }) : () -> ()
        %scan3A_56 = arith.constant 0 : i32
        scf.yield %scan3A_56 : i32
      }
      %scan3A_45 = arith.constant 10 : i32
    } else {
    }
    %eq3A_2 = arith.constant 1 : i32
    %eq3A_3 = arith.cmpi eq, %arg0, %eq3A_2 : i32
    %convert_element_type3A_4 = arith.extui %eq3A_3 : i1 to i32
    %cond3A_5 = arith.constant 0 : i32
    %cond3A_6 = arith.cmpi ne, %convert_element_type3A_4, %cond3A_5 : i32
    scf.if %cond3A_6 {
      %scan3A = arith.constant 0 : i32
      %scan3A_7 = arith.constant 0 : i32
      %scan3A_8 = arith.constant 625 : i32
      %scan3A_9 = arith.addi %scan3A_7, %scan3A_8 : i32
      %scan3A_10 = arith.constant 1 : i32
      %scan3A_11 = scf.for %scan3A_46 = %scan3A_7 to %scan3A_9 step %scan3A_10 iter_args(%scan3A_47 = %scan3A) -> (i32)  : i32 {
        %broadcast_in_dim3A = arith.constant 1.000000e+00 : f32
        %broadcast_in_dim3A_48 = vector.broadcast %broadcast_in_dim3A : f32 to vector<16xf32>
        %mul3A_49 = arith.constant 16 : i32
        %mul3A_50 = arith.muli %scan3A_46, %mul3A_49 : i32
        %swap3A = arith.index_cast %mul3A_50 : i32 to index
        %swap3A_51 = tpu.vector_load %arg8[%swap3A] {strides = array<i32>} : memref<10000xf32, #tpu.memory_space<vmem>>, vector<16xf32>,
        %swap3A_52 = vector.shape_cast %swap3A_51 : vector<16xf32> to vector<16xf32>
        %swap3A_53 = vector.shape_cast %broadcast_in_dim3A_48 : vector<16xf32> to vector<16xf32>
        tpu.vector_store %arg8[%swap3A], %swap3A_53 {strides = array<i32>} : memref<10000xf32, #tpu.memory_space<vmem>>, vector<16xf32>,
        %scan3A_54 = arith.constant 0 : i32
        scf.yield %scan3A_54 : i32
      }
      %scan3A_12 = arith.constant 625 : i32
      %scan3A_13 = arith.constant 0 : i32
      %scan3A_14 = arith.constant 0 : i32
      %scan3A_15 = arith.constant 391 : i32
      %scan3A_16 = arith.addi %scan3A_14, %scan3A_15 : i32
      %scan3A_17 = arith.constant 1 : i32
      %scan3A_18 = scf.for %scan3A_46 = %scan3A_14 to %scan3A_16 step %scan3A_17 iter_args(%scan3A_47 = %scan3A_13) -> (i32)  : i32 {
        %broadcast_in_dim3A = arith.constant 0.000000e+00 : f32
        %broadcast_in_dim3A_48 = vector.broadcast %broadcast_in_dim3A : f32 to vector<16xf32>
        %mul3A_49 = arith.constant 16 : i32
        %mul3A_50 = arith.muli %scan3A_46, %mul3A_49 : i32
        %swap3A = arith.index_cast %mul3A_50 : i32 to index
        %swap3A_51 = tpu.vector_load %arg9[%swap3A] {strides = array<i32>} : memref<6256xf32, #tpu.memory_space<vmem>>, vector<16xf32>,
        %swap3A_52 = vector.shape_cast %swap3A_51 : vector<16xf32> to vector<16xf32>
        %swap3A_53 = vector.shape_cast %broadcast_in_dim3A_48 : vector<16xf32> to vector<16xf32>
        tpu.vector_store %arg9[%swap3A], %swap3A_53 {strides = array<i32>} : memref<6256xf32, #tpu.memory_space<vmem>>, vector<16xf32>,
        %scan3A_54 = arith.constant 0 : i32
        scf.yield %scan3A_54 : i32
      }
      %scan3A_19 = arith.constant 391 : i32
      %mul3A = arith.constant 6256 : i32
      %mul3A_20 = arith.muli %arg1, %mul3A : i32
      "tpu.region"() ({
        %run_scoped3A = tpu.sem_alloc : memref<!tpu.dma_semaphore, #tpu.memory_space<semaphore_mem>>
        %dma_start3A = tpu.memref_slice %arg6[%mul3A_20] : memref<100096xf32, #tpu.memory_space<vmem_shared>> -> memref<6256xf32, #tpu.memory_space<vmem_shared>>
        %dma_start3A_46 = tpu.memref_slice %arg6[%mul3A_20] : memref<100096xf32, #tpu.memory_space<vmem_shared>> -> memref<6256xf32, #tpu.memory_space<vmem_shared>>
        tpu.enqueue_dma source(%arg9 : memref<6256xf32, #tpu.memory_space<vmem>>) target(%dma_start3A_46 : memref<6256xf32, #tpu.memory_space<vmem_shared>>) target_semaphore(%run_scoped3A : memref<!tpu.dma_semaphore, #tpu.memory_space<semaphore_mem>>)
        %dma_wait3A = tpu.memref_slice %arg6[%mul3A_20] : memref<100096xf32, #tpu.memory_space<vmem_shared>> -> memref<6256xf32, #tpu.memory_space<vmem_shared>>
        %dma_wait3A_47 = tpu.memref_slice %arg6[%mul3A_20] : memref<100096xf32, #tpu.memory_space<vmem_shared>> -> memref<6256xf32, #tpu.memory_space<vmem_shared>>
        tpu.wait_dma2 semaphore(%run_scoped3A : memref<!tpu.dma_semaphore, #tpu.memory_space<semaphore_mem>>) src(%arg9 : memref<6256xf32, #tpu.memory_space<vmem>>) dst(%dma_wait3A_47 : memref<6256xf32, #tpu.memory_space<vmem_shared>>)
        tpu.yield
      }) : () -> ()
      %mul3A_21 = arith.constant 100000 : i32
      %mul3A_22 = arith.muli %arg1, %mul3A_21 : i32
      "tpu.region"() ({
        %run_scoped3A = tpu.sem_alloc : memref<!tpu.dma_semaphore, #tpu.memory_space<semaphore_mem>>
        %dma_start3A = tpu.memref_slice %arg3[%mul3A_22] : memref<1600000xi32, #tpu.memory_space<hbm>> -> memref<100000xi32, #tpu.memory_space<hbm>>
        %dma_start3A_46 = tpu.memref_slice %arg3[%mul3A_22] : memref<1600000xi32, #tpu.memory_space<hbm>> -> memref<100000xi32, #tpu.memory_space<hbm>>
        tpu.enqueue_dma source(%dma_start3A_46 : memref<100000xi32, #tpu.memory_space<hbm>>) target(%arg7 : memref<100000xi32, #tpu.memory_space<vmem>>) target_semaphore(%run_scoped3A : memref<!tpu.dma_semaphore, #tpu.memory_space<semaphore_mem>>)
        %dma_wait3A = tpu.memref_slice %arg3[%mul3A_22] : memref<1600000xi32, #tpu.memory_space<hbm>> -> memref<100000xi32, #tpu.memory_space<hbm>>
        %dma_wait3A_47 = tpu.memref_slice %arg3[%mul3A_22] : memref<1600000xi32, #tpu.memory_space<hbm>> -> memref<100000xi32, #tpu.memory_space<hbm>>
        tpu.wait_dma2 semaphore(%run_scoped3A : memref<!tpu.dma_semaphore, #tpu.memory_space<semaphore_mem>>) src(%dma_wait3A_47 : memref<100000xi32, #tpu.memory_space<hbm>>) dst(%arg7 : memref<100000xi32, #tpu.memory_space<vmem>>)
        tpu.yield
      }) : () -> ()
      %barrier3A = arith.constant 0 : index
      tpu.barrier barrier_id(%barrier3A)
      %scan3A_23 = arith.constant 0 : i32
      %scan3A_24 = arith.constant 0 : i32
      %scan3A_25 = arith.constant 10 : i32
      %scan3A_26 = arith.addi %scan3A_24, %scan3A_25 : i32
      %scan3A_27 = arith.constant 1 : i32
      %scan3A_28 = scf.for %scan3A_46 = %scan3A_24 to %scan3A_26 step %scan3A_27 iter_args(%scan3A_47 = %scan3A_23) -> (i32)  : i32 {
        %mul3A_48 = arith.constant 10000 : i32
        %mul3A_49 = arith.muli %scan3A_46, %mul3A_48 : i32
        "tpu.region"() ({
          %run_scoped3A = tpu.sem_alloc : memref<!tpu.dma_semaphore, #tpu.memory_space<semaphore_mem>>
          %dma_start3A = tpu.memref_slice %arg7[%mul3A_49] : memref<100000xi32, #tpu.memory_space<vmem>> -> memref<10000xi32, #tpu.memory_space<vmem>>
          %dma_start3A_51 = arith.constant 0 : i32
          %dma_start3A_52 = tpu.memref_slice %arg6[%dma_start3A_51] : memref<100096xf32, #tpu.memory_space<vmem_shared>> -> memref<100096xf32, #tpu.memory_space<vmem_shared>>
          tpu.enqueue_indirect_dma source(%arg8 : memref<10000xf32, #tpu.memory_space<vmem>>) target(%dma_start3A_52 : memref<100096xf32, #tpu.memory_space<vmem_shared>>) offsets(%dma_start3A : memref<10000xi32, #tpu.memory_space<vmem>>) semaphore(%run_scoped3A : memref<!tpu.dma_semaphore, #tpu.memory_space<semaphore_mem>>) {add = true}
          %dma_wait3A = tpu.memref_slice %arg7[%mul3A_49] : memref<100000xi32, #tpu.memory_space<vmem>> -> memref<10000xi32, #tpu.memory_space<vmem>>
          %dma_wait3A_53 = arith.constant 0 : i32
          %dma_wait3A_54 = tpu.memref_slice %arg6[%dma_wait3A_53] : memref<100096xf32, #tpu.memory_space<vmem_shared>> -> memref<100096xf32, #tpu.memory_space<vmem_shared>>
          tpu.wait_indirect_dma semaphore(%run_scoped3A : memref<!tpu.dma_semaphore, #tpu.memory_space<semaphore_mem>>) src(%arg8 : memref<10000xf32, #tpu.memory_space<vmem>>) dst(%dma_wait3A_54 : memref<100096xf32, #tpu.memory_space<vmem_shared>>)
          tpu.yield
        }) : () -> ()
        %scan3A_50 = arith.constant 0 : i32
        scf.yield %scan3A_50 : i32
      }
      %scan3A_29 = arith.constant 10 : i32
      %barrier3A_30 = arith.constant 0 : index
      tpu.barrier barrier_id(%barrier3A_30)
      "tpu.region"() ({
        %run_scoped3A = tpu.sem_alloc : memref<!tpu.dma_semaphore, #tpu.memory_space<semaphore_mem>>
        %dma_start3A = tpu.memref_slice %arg6[%mul3A_20] : memref<100096xf32, #tpu.memory_space<vmem_shared>> -> memref<6256xf32, #tpu.memory_space<vmem_shared>>
        %dma_start3A_46 = tpu.memref_slice %arg6[%mul3A_20] : memref<100096xf32, #tpu.memory_space<vmem_shared>> -> memref<6256xf32, #tpu.memory_space<vmem_shared>>
        tpu.enqueue_dma source(%dma_start3A_46 : memref<6256xf32, #tpu.memory_space<vmem_shared>>) target(%arg9 : memref<6256xf32, #tpu.memory_space<vmem>>) target_semaphore(%run_scoped3A : memref<!tpu.dma_semaphore, #tpu.memory_space<semaphore_mem>>)
        %dma_wait3A = tpu.memref_slice %arg6[%mul3A_20] : memref<100096xf32, #tpu.memory_space<vmem_shared>> -> memref<6256xf32, #tpu.memory_space<vmem_shared>>
        %dma_wait3A_47 = tpu.memref_slice %arg6[%mul3A_20] : memref<100096xf32, #tpu.memory_space<vmem_shared>> -> memref<6256xf32, #tpu.memory_space<vmem_shared>>
        tpu.wait_dma2 semaphore(%run_scoped3A : memref<!tpu.dma_semaphore, #tpu.memory_space<semaphore_mem>>) src(%dma_wait3A_47 : memref<6256xf32, #tpu.memory_space<vmem_shared>>) dst(%arg9 : memref<6256xf32, #tpu.memory_space<vmem>>)
        tpu.yield
      }) : () -> ()
      %scan3A_31 = arith.constant 0 : i32
      %scan3A_32 = arith.constant 0 : i32
      %scan3A_33 = arith.constant 391 : i32
      %scan3A_34 = arith.addi %scan3A_32, %scan3A_33 : i32
      %scan3A_35 = arith.constant 1 : i32
      %scan3A_36 = scf.for %scan3A_46 = %scan3A_32 to %scan3A_34 step %scan3A_35 iter_args(%scan3A_47 = %scan3A_31) -> (i32)  : i32 {
        %mul3A_48 = arith.constant 16 : i32
        %mul3A_49 = arith.muli %scan3A_46, %mul3A_48 : i32
        %get3A = arith.index_cast %mul3A_49 : i32 to index
        %get3A_50 = tpu.vector_load %arg9[%get3A] {strides = array<i32>} : memref<6256xf32, #tpu.memory_space<vmem>>, vector<16xf32>,
        %get3A_51 = vector.shape_cast %get3A_50 : vector<16xf32> to vector<16xf32>
        %div3A = arith.constant 1.000000e+00 : f32
        %div3A_52 = vector.broadcast %div3A : f32 to vector<16xf32>
        %div3A_53 = arith.divf %div3A_52, %get3A_51 : vector<16xf32>
        %mul3A_54 = arith.constant 16 : i32
        %mul3A_55 = arith.muli %scan3A_46, %mul3A_54 : i32
        %swap3A = arith.index_cast %mul3A_55 : i32 to index
        %swap3A_56 = tpu.vector_load %arg9[%swap3A] {strides = array<i32>} : memref<6256xf32, #tpu.memory_space<vmem>>, vector<16xf32>,
        %swap3A_57 = vector.shape_cast %swap3A_56 : vector<16xf32> to vector<16xf32>
        %swap3A_58 = vector.shape_cast %div3A_53 : vector<16xf32> to vector<16xf32>
        tpu.vector_store %arg9[%swap3A], %swap3A_58 {strides = array<i32>} : memref<6256xf32, #tpu.memory_space<vmem>>, vector<16xf32>,
        %scan3A_59 = arith.constant 0 : i32
        scf.yield %scan3A_59 : i32
      }
      %scan3A_37 = arith.constant 391 : i32
      "tpu.region"() ({
        %run_scoped3A = tpu.sem_alloc : memref<!tpu.dma_semaphore, #tpu.memory_space<semaphore_mem>>
        %dma_start3A = tpu.memref_slice %arg6[%mul3A_20] : memref<100096xf32, #tpu.memory_space<vmem_shared>> -> memref<6256xf32, #tpu.memory_space<vmem_shared>>
        %dma_start3A_46 = tpu.memref_slice %arg6[%mul3A_20] : memref<100096xf32, #tpu.memory_space<vmem_shared>> -> memref<6256xf32, #tpu.memory_space<vmem_shared>>
        tpu.enqueue_dma source(%arg9 : memref<6256xf32, #tpu.memory_space<vmem>>) target(%dma_start3A_46 : memref<6256xf32, #tpu.memory_space<vmem_shared>>) target_semaphore(%run_scoped3A : memref<!tpu.dma_semaphore, #tpu.memory_space<semaphore_mem>>)
        %dma_wait3A = tpu.memref_slice %arg6[%mul3A_20] : memref<100096xf32, #tpu.memory_space<vmem_shared>> -> memref<6256xf32, #tpu.memory_space<vmem_shared>>
        %dma_wait3A_47 = tpu.memref_slice %arg6[%mul3A_20] : memref<100096xf32, #tpu.memory_space<vmem_shared>> -> memref<6256xf32, #tpu.memory_space<vmem_shared>>
        tpu.wait_dma2 semaphore(%run_scoped3A : memref<!tpu.dma_semaphore, #tpu.memory_space<semaphore_mem>>) src(%arg9 : memref<6256xf32, #tpu.memory_space<vmem>>) dst(%dma_wait3A_47 : memref<6256xf32, #tpu.memory_space<vmem_shared>>)
        tpu.yield
      }) : () -> ()
      %barrier3A_38 = arith.constant 0 : index
      tpu.barrier barrier_id(%barrier3A_38)
      %scan3A_39 = arith.constant 0 : i32
      %scan3A_40 = arith.constant 0 : i32
      %scan3A_41 = arith.constant 10 : i32
      %scan3A_42 = arith.addi %scan3A_40, %scan3A_41 : i32
      %scan3A_43 = arith.constant 1 : i32
      %scan3A_44 = scf.for %scan3A_46 = %scan3A_40 to %scan3A_42 step %scan3A_43 iter_args(%scan3A_47 = %scan3A_39) -> (i32)  : i32 {
        %mul3A_48 = arith.constant 10000 : i32
        %mul3A_49 = arith.muli %scan3A_46, %mul3A_48 : i32
        %add3A = arith.addi %mul3A_22, %mul3A_49 : i32
        %mul3A_50 = arith.constant 10000 : i32
        %mul3A_51 = arith.muli %scan3A_46, %mul3A_50 : i32
        %dma_start3A = tpu.memref_slice %arg7[%mul3A_51] : memref<100000xi32, #tpu.memory_space<vmem>> -> memref<10000xi32, #tpu.memory_space<vmem>>
        %dma_start3A_52 = arith.constant 0 : i32
        %dma_start3A_53 = tpu.memref_slice %arg6[%dma_start3A_52] : memref<100096xf32, #tpu.memory_space<vmem_shared>> -> memref<100096xf32, #tpu.memory_space<vmem_shared>>
        tpu.enqueue_indirect_dma source(%dma_start3A_53 : memref<100096xf32, #tpu.memory_space<vmem_shared>>) target(%arg8 : memref<10000xf32, #tpu.memory_space<vmem>>) offsets(%dma_start3A : memref<10000xi32, #tpu.memory_space<vmem>>) semaphore(%arg10 : memref<!tpu.dma_semaphore, #tpu.memory_space<semaphore_mem>>)
        %dma_wait3A = tpu.memref_slice %arg7[%mul3A_51] : memref<100000xi32, #tpu.memory_space<vmem>> -> memref<10000xi32, #tpu.memory_space<vmem>>
        %dma_wait3A_54 = arith.constant 0 : i32
        %dma_wait3A_55 = tpu.memref_slice %arg6[%dma_wait3A_54] : memref<100096xf32, #tpu.memory_space<vmem_shared>> -> memref<100096xf32, #tpu.memory_space<vmem_shared>>
        tpu.wait_indirect_dma semaphore(%arg10 : memref<!tpu.dma_semaphore, #tpu.memory_space<semaphore_mem>>) src(%dma_wait3A_55 : memref<100096xf32, #tpu.memory_space<vmem_shared>>) dst(%arg8 : memref<10000xf32, #tpu.memory_space<vmem>>)
        "tpu.region"() ({
          %run_scoped3A = tpu.sem_alloc : memref<!tpu.dma_semaphore, #tpu.memory_space<semaphore_mem>>
          %dma_start3A_57 = tpu.memref_slice %arg5[%add3A] : memref<1600000xf32, #tpu.memory_space<hbm>> -> memref<10000xf32, #tpu.memory_space<hbm>>
          %dma_start3A_58 = tpu.memref_slice %arg5[%add3A] : memref<1600000xf32, #tpu.memory_space<hbm>> -> memref<10000xf32, #tpu.memory_space<hbm>>
          tpu.enqueue_dma source(%arg8 : memref<10000xf32, #tpu.memory_space<vmem>>) target(%dma_start3A_58 : memref<10000xf32, #tpu.memory_space<hbm>>) target_semaphore(%run_scoped3A : memref<!tpu.dma_semaphore, #tpu.memory_space<semaphore_mem>>)
          %dma_wait3A_59 = tpu.memref_slice %arg5[%add3A] : memref<1600000xf32, #tpu.memory_space<hbm>> -> memref<10000xf32, #tpu.memory_space<hbm>>
          %dma_wait3A_60 = tpu.memref_slice %arg5[%add3A] : memref<1600000xf32, #tpu.memory_space<hbm>> -> memref<10000xf32, #tpu.memory_space<hbm>>
          tpu.wait_dma2 semaphore(%run_scoped3A : memref<!tpu.dma_semaphore, #tpu.memory_space<semaphore_mem>>) src(%arg8 : memref<10000xf32, #tpu.memory_space<vmem>>) dst(%dma_wait3A_60 : memref<10000xf32, #tpu.memory_space<hbm>>)
          tpu.yield
        }) : () -> ()
        %scan3A_56 = arith.constant 0 : i32
        scf.yield %scan3A_56 : i32
      }
      %scan3A_45 = arith.constant 10 : i32
    } else {
    }
    return
  }
}

</mosaic_0001>

<sc_bundles>
// kernel: kernel.3.cloned.1.call-start
scs
__scs_entry_jumppad:
0x0: {  	(pc) =	sbr.rel $0x88, $3  }
0x1: {  	(tag) =	ssettag $0x0;
	lr =	simm.s32 $0x1  }
0x2: {  	[smem:$0x3FA0] =	sst lr;
	_ =	strace $0xD0000000  }
0x3: {  	_ = 	snop  }
0x4: {  	_ = 	snop  }
0x5: {  	_ = 	snop  }
0x6: {  	_ = 	snop  }
0x7: {  	_ = 	snop  }
__scs_overlays_trampoline_lowered:
0x8: {  	[smem:$0x3FAF] =	sst s0  }
0x9: {  	[smem:$0x3FB0] =	sst s1  }
0xa: {  	[smem:$0x3FB1] =	sst s2  }
0xb: {  	[smem:$0x3FB2] =	sst s3  }
0xc: {  	[smem:$0x3FB3] =	sst s4  }
0xd: {  	[smem:$0x3FB4] =	sst s5  }
0xe: {  	[smem:$0x3FB5] =	sst s6  }
0xf: {  	[smem:$0x3FB6] =	sst s7  }
0x10: {  	[smem:$0x3FB7] =	sst s8  }
0x11: {  	[smem:$0x3FB8] =	sst s9;
	s0 =	simm.s32 @!p0 $0x0  }
0x12: {  	s1 =	sld [smem:$0x3F9E];
	s0 =	simm.s32 @p0 $0x1  }
0x13: {  	[smem:$0x3FB9] =	sst s0;
	s0 =	simm.s32 @!p1 $0x0  }
0x14: {  	s2 =	sld [smem:$0x3F9D];
	s0 =	simm.s32 @p1 $0x1  }
0x15: {  	[smem:$0x3FBA] =	sst s0;
	s0 =	simm.s32 @!p2 $0x0  }
0x16: {  	s3 =	sld [smem:$0x3FDB];
	s0 =	simm.s32 @p2 $0x1  }
0x17: {  	s4 =	simm.s32 $0x1BF5;
	[smem:$0x3FBC] =	sst s0  }
0x18: {  	s0 =	sld [smem:$0x3F9F];
	_ =	swait.ge [sflag:s4], $0x0  }
0x19: {  	s7 =	sld [smem:$0x3FA0]  }
0x1a: {  	s8 =	sadd.s32 $0xFFFFE003, lr  }
0x1b: {  	s9 =	sadd.s32 $0xFFFFFEF7, lr;
	s5 =	simm.s32 $0xFFFFFFFF;
	p2 =	slt.u32 s8, $0xFFFFF086  }
0x1c: {  	p1 =	slt.u32 s9, $0xF7A;
	s5 =	simm.s32 @!p2 $0x0  }
0x1d: {  	s5 =	simm.s32 @p1 $0x1;
	p0 =	seq.s32 s7, s2  }
0x1e: {  	s7 =	smul.u32 @!p0 $0xF7A, s2;
	p2 =	seq.s32 @!p0 s5, $0x0  }
0x1f: {  	s9 =	smul.u32 $0xF7A, s1;
	s8 =	simm.s32 @!p0 $0x1BF5;
	p2 =	por !p2, p0  }
0x20: {  	[sflag:s8] =	ssyncset.s32 @!p0 $0xFFFFF086;
	s6 =	sadd.s32 @!p0 s3, s7;
	s7 =	simm.s32 @!p0 $0x108  }
0x21: {  	s3 =	sadd.s32 s3, s9;
	s6 =	sadd.s32 @!p0 $0x88, s6;
	s7 =	simm.s32 @p2 $0x1082  }
0x22: {  	[simem:s7], [sflag:s8] =	dma.local @!p0 [hbm:s6], $0xF7A  }
0x23: {  	s9 =	sor.u32 $0xD0000000, s2;
	s6 =	simm.s32 $0x108;
	_ =	swait.ge @!p0 [sflag:s8], $0x0  }
0x24: {  	s3 =	sadd.s32 $0x88, s3;
	s6 =	simm.s32 @!p1 $0x1082;
	[sflag:s4] =	ssyncset.s32 $0xFFFFF086  }
0x25: {  	[simem:s6], [sflag:s4] =	dma.local [hbm:s3], $0xF7A  }
0x26: {  	[smem:$0x3FA0] =	sst s1;
	(tag) =	ssettag s2;
	_ =	strace s9  }
0x27: {  	s1 =	sld [smem:$0x3FB0]  }
0x28: {  	s2 =	sld [smem:$0x3FB1]  }
0x29: {  	s4 =	sld [smem:$0x3FB3]  }
0x2a: {  	p0 =	seq.s32 s5, $0x0;
	s5 =	sld [smem:$0x3FB4]  }
0x2b: {  	s6 =	sld [smem:$0x3FB5]  }
0x2c: {  	s7 =	sld [smem:$0x3FB6]  }
0x2d: {  	s3 =	simm.s32 $0x108;
	s8 =	sld [smem:$0x3FB7]  }
0x2e: {  	s3 =	simm.s32 @!p0 $0x1082;
	s9 =	sld [smem:$0x3FB8]  }
0x2f: {  	lr =	sadd.s32 s0, s3;
	s0 =	sld [smem:$0x3FAF]  }
0x30: {  	s3 =	sld [smem:$0x3FB2]  }
0x31: {  	[smem:$0x3FBB] =	sst s10  }
0x32: {  	s10 =	sld [smem:$0x3FB9];
	_ =	sdelay $0x3  }
0x33: {  	p0 =	seq.s32 s10, $0x1;
	s10 =	sld [smem:$0x3FBB];
	_ =	sdelay $0x3  }
0x34: {  	[smem:$0x3FBB] =	sst s10  }
0x35: {  	s10 =	sld [smem:$0x3FBA];
	_ =	sdelay $0x3  }
0x36: {  	p1 =	seq.s32 s10, $0x1;
	s10 =	sld [smem:$0x3FBB];
	_ =	sdelay $0x3  }
0x37: {  	[smem:$0x3FBB] =	sst s10  }
0x38: {  	s10 =	sld [smem:$0x3FBC]  }
0x39: {  	_ = 	snop;
	(pc) =	sbr.ind lr, $3  }
0x3a: {  	_ = 	snop  }
0x3b: {  	_ = 	snop  }
0x3c: {  	p2 =	seq.s32 s10, $0x1;
	s10 =	sld [smem:$0x3FBB]  }
0x3d: {  	_ =	shalt  }
0x3e: {  	_ =	shalt  }
0x3f: {  	_ =	shalt  }
0x40: {  	_ =	shalt  }
0x41: {  	_ =	shalt  }
0x42: {  	_ =	shalt  }
0x43: {  	_ =	shalt  }
0x44: {  	_ =	shalt  }
0x45: {  	_ =	shalt  }
0x46: {  	_ =	shalt  }
0x47: {  	_ =	shalt  }
0x48: {  	_ =	shalt  }
0x49: {  	_ =	shalt  }
0x4a: {  	_ =	shalt  }
0x4b: {  	_ =	shalt  }
0x4c: {  	_ =	shalt  }
0x4d: {  	_ =	shalt  }
0x4e: {  	_ =	shalt  }
0x4f: {  	_ =	shalt  }
0x50: {  	_ =	shalt  }
0x51: {  	_ =	shalt  }
0x52: {  	_ =	shalt  }
0x53: {  	_ =	shalt  }
0x54: {  	_ =	shalt  }
0x55: {  	_ =	shalt  }
0x56: {  	_ =	shalt  }
0x57: {  	_ =	shalt  }
0x58: {  	_ =	shalt  }
0x59: {  	_ =	shalt  }
0x5a: {  	_ =	shalt  }
0x5b: {  	_ =	shalt  }
0x5c: {  	_ =	shalt  }
0x5d: {  	_ =	shalt  }
0x5e: {  	_ =	shalt  }
0x5f: {  	_ =	shalt  }
0x60: {  	_ =	shalt  }
0x61: {  	_ =	shalt  }
0x62: {  	_ =	shalt  }
0x63: {  	_ =	shalt  }
0x64: {  	_ =	shalt  }
0x65: {  	_ =	shalt  }
0x66: {  	_ =	shalt  }
0x67: {  	_ =	shalt  }
0x68: {  	_ =	shalt  }
0x69: {  	_ =	shalt  }
0x6a: {  	_ =	shalt  }
0x6b: {  	_ =	shalt  }
0x6c: {  	_ =	shalt  }
0x6d: {  	_ =	shalt  }
0x6e: {  	_ =	shalt  }
0x6f: {  	_ =	shalt  }
0x70: {  	_ =	shalt  }
0x71: {  	_ =	shalt  }
0x72: {  	_ =	shalt  }
0x73: {  	_ =	shalt  }
0x74: {  	_ =	shalt  }
0x75: {  	_ =	shalt  }
0x76: {  	_ =	shalt  }
0x77: {  	_ =	shalt  }
0x78: {  	_ =	shalt  }
0x79: {  	_ =	shalt  }
0x7a: {  	_ =	shalt  }
0x7b: {  	_ =	shalt  }
0x7c: {  	_ =	shalt  }
0x7d: {  	_ =	shalt  }
0x7e: {  	_ =	shalt  }
0x7f: {  	_ =	shalt  }
0x80: {  	_ =	shalt  }
0x81: {  	_ =	shalt  }
0x82: {  	_ =	shalt  }
0x83: {  	_ =	shalt  }
0x84: {  	_ =	shalt  }
0x85: {  	_ =	shalt  }
0x86: {  	_ =	shalt  }
0x87: {  	_ =	shalt  }
.Lfunc_end0:
.L_simem_size_0:
called_computation_lowered:
.L_overlay_start_0:
0x88: {  	s2 =	sld [smem:$0x3FD9]  }
0x89: {  	s3 =	sld [smem:$0x3FFE];
	_ =	sdelay $0x1  }
0x8a: {  	s1 =	srdreg.scid  }
0x8b: {  	s0 =	sand.u32 $0x1, s1  }
0x8c: {  	s15 =	sshll.u32 s0, $0xA;
	s2 =	sadd.s32 s3, s2  }
0x8d: {  	s2 =	sadd.s32 s2, s15  }
0x8e: {  	[smem:$0x3FC7] =	sst s2  }
0x8f: {  	_ = 	snop  }
0x90: {  	s2 =	sld [smem:$0x3FD0];
	_ =	sdelay $0x2  }
0x91: {  	s16 =	simm.s32 $0xA;
	s4 =	simm.s32 $0x10  }
0x92: {  	[smem:s4], [sflag:s16] =	dma.local [hbm:s2], $0x1  }
0x93: {  	_ =	swait.eq [sflag:s16], $0x1  }
0x94: {  	s17 =	sld [smem:$0x10]  }
0x95: {  	s18 =	sld [smem:$0x12];
	[sflag:s16] =	ssyncset.done $0x0  }
0x96: {  	s5 =	sld [smem:$0x13];
	[sflag:s16] =	ssyncadd.s32 $0xFFFFFFFF  }
0x97: {  	s19 =	sld [smem:$0x15];
	(tm) =	ssettm $0x1  }
0x98: {  	s6 =	sld [smem:$0x3FFB];
	_ =	sdelay $0x3  }
0x99: {  	_ =	strace s6  }
0x9a: {  	s6 =	sld [smem:$0x3FFC];
	_ =	sdelay $0x3  }
0x9b: {  	_ =	strace s6  }
0x9c: {  	s6 =	sld [smem:$0x3FFD];
	_ =	sdelay $0x3  }
0x9d: {  	_ =	strace s6  }
0x9e: {  	_ =	strace $0x8FFFFFFF  }
0x9f: {  	s20 =	sld [smem:$0x3FDB];
	_ =	sdelay $0x1  }
0xa0: {  	s7 =	simm.s32 $_scs_section_size  }
0xa1: {  	s8 =	simm.s32 $_size__tile_overlayer_lowered;
	s9 =	simm.s32 $_tile_overlayer_lowered  }
0xa2: {  	s23 =	simm.s32 $0x1BFF;
	s22 =	sshll.u32 s9, $0x1;
	s6 =	sadd.s32 s7, s20  }
0xa3: {  	s10 =	simm.s32 $0x0;
	s21 =	sshll.u32 s8, $0x1;
	s8 =	sadd.s32 s22, s6  }
0xa4: {  	[timem:s10], [sflag:s23] =	dma.local [hbm:s8], s21  }
0xa5: {  	_ =	swait.ge [sflag:s23], s21  }
0xa6: {  	s7 =	ssub.s32 $0x0, s21;
	[sflag:s23] =	ssyncset.done $0x0  }
0xa7: {  	[sflag:s23] =	ssyncadd.s32 s7;
	_ =	sdelay $0x1  }
0xa8: {  	s24 =	simm.s32 $0x1B8B  }
0xa9: {  	_ =	swait.ge [sflag:s24], $0x1  }
0xaa: {  	[sflag:s24] =	ssyncset.done $0x0  }
0xab: {  	s25 =	simm.s32 $0x1B8E;
	[sflag:s24] =	ssyncadd.s32 $0xFFFFFFFF  }
0xac: {  	s26 =	simm.s32 $execute0_lowered;
	[smem:$0x3FD2] =	sst s25  }
0xad: {  	s7 =	sshll.u32 s26, $0x1;
	_ =	strace $0x80000046;
	[dreg:$0x1] =	wrdreg $0xFFFFFFFF  }
0xae: {  	s28 =	simm.s32 $_size_execute0_lowered;
	s6 =	sadd.s32 s6, s7;
	[dreg:$0x0] =	wrdreg $0x0  }
0xaf: {  	s7 =	sshll.u32 s28, $0x1;
	[dreg:$0x2] =	wrdreg s6  }
0xb0: {  	[dreg:$0x3] =	wrdreg s7  }
0xb1: {  	[dreg:$0x4] =	wrdreg $0xC0  }
0xb2: {  	_ =	task [dreg:s10], $0x5FFFF  }
0xb3: {  	[dreg:$0x1] =	wrdreg $0xFFFFFFFF  }
0xb4: {  	[dreg:$0x0] =	wrdreg $0x60  }
0xb5: {  	[dreg:$0x2] =	wrdreg s17  }
0xb6: {  	[dreg:$0x3] =	wrdreg s5  }
0xb7: {  	[dreg:$0x4] =	wrdreg s18  }
0xb8: {  	[dreg:$0x5] =	wrdreg s19  }
0xb9: {  	[dreg:$0x6] =	wrdreg $0x0  }
0xba: {  	[dreg:$0x7] =	wrdreg $0x9  }
0xbb: {  	_ =	task.clear_ibuf [dreg:s10], $0x8FFFF;
	_ =	strace $0x90000046  }
0xbc: {  	s29 =	simm.s32 $0x9;
	_ =	strace $0x80000048  }
0xbd: {  	_ =	swait.ge [sflag:s29], $0x1  }
0xbe: {  	[sflag:s29] =	ssyncadd.s32 $0xFFFFFFFF  }
0xbf: {  	_ =	strace $0x90000048  }
0xc0: {  	_ =	sfence  }
0xc1: {  	s30 =	sld [smem:$0x0];
	_ =	sdelay $0x2  }
0xc2: {  	s31 =	sshll.u32 s1, $0xD;
	s1 =	sshrl.u32 s1, $0x2  }
0xc3: {  	s3 =	sand.u32 $0x4000, s31;
	s1 =	sadd.s32 s1, s30  }
0xc4: {  	s0 =	sor.u32 s3, s0;
	s1 =	sshll.u32 s1, $0x11  }
0xc5: {  	s0 =	sor.u32 s1, s0  }
0xc6: {  	s0 =	sadd.s32 $0x8F2B, s0  }
0xc7: {  	[sflag:s0] =	ssyncadd.remote.s32 $0x1  }
0xc8: {  	_ =	sfence.sel $0xFFFF  }
0xc9: {  	[dreg:$0x0] =	wrdreg $0xFFFFFFFF;
	(pc) =	sbr.abs _section_cstart, $3  }
0xca: {  	[dreg:$0x1] =	wrdreg $0xFFFFFFFF  }
0xcb: {  	_ =	task.clear_ibuf [dreg:s10], $0x2FFFF;
	_ =	strace $0x9FFFFFFF  }
0xcc: {  	(tm) =	ssettm $0x7FFFFFFF  }
0xcd: {  	_ =	shalt  }
tec
execute0_lowered:
.L_overlay_start_1:
0x0: {  	(tag) =	ssettag $0x1  }
0x1: {  	s0 =	rddreg [dreg:$0x0]  }
0x2: {  	s1 =	rddreg [dreg:$0x1]  }
0x3: {  	s4 =	rddreg [dreg:$0x4]  }
0x4: {  	s2 =	srdreg.scid;
	s7 =	stileid.u32  }
0x5: {  	s5 =	simm.s32 $0x0;
	s20 =	simm.s32 $0x1C6F0;
	s21 =	simm.s32 $0x2  }
0x6: {  	s22 =	simm.s32 $0x1870;
	s23 =	simm.s32 $0x2710;
	s24 =	simm.s32 $0x19F70  }
0x7: {  	s28 =	simm.s32 $0x8DA0;
	s29 =	simm.s32 $0xB4B0;
	s30 =	simm.s32 $0xDBC0  }
0x8: {  	s31 =	simm.s32 $0x102D0;
	s2 =	sand.u32 $0x1, s2;
	s3 =	smul.u32 $0x61C0, s7  }
0x9: {  	[smem:$0x7FF] =	sst s5;
	s7 =	smul.u32 $0x186A0, s7;
	s6 =	ssub.s32 $0x2, s2  }
0xa: {  	_ =	strace $0x80000047;
	p0 =	seq.s32 s2, $0x1;
	s8 =	sshrl.u32 s6, $0x1  }
0xb: {  	s2 =	simm.s32 $0x150F0;
	s3 =	sshrl.u32 s3, $0x2;
	s8 =	ssub.s32 s6, s8  }
0xc: {  	s6 =	sshrl.u32 s7, $0x3;
	s7 =	sadd.s32 s3, s4;
	s3 =	simm.s32 $0x1  }
0xd: {  	s0 =	sadd.s32 s0, s6;
	s25 =	sadd.s32 s1, s6;
	s26 =	smax.u32 s8, $0x1  }
0xe: {  	s11 =	sadd.s32 $0x4E2, s6;
	s12 =	sadd.s32 $0x9C4, s6;
	s13 =	sadd.s32 $0xEA6, s6  }
.Ltmp0:
0xf: {  	s14 =	sadd.s32 $0x1388, s6;
	s15 =	sadd.s32 $0x186A, s6;
	(pc) =	sbr.rel .LBB2_1-.Ltmp0, $4  }
0x10: {  	s16 =	sadd.s32 $0x1D4C, s6;
	s17 =	sadd.s32 $0x222E, s6;
	[dreg:$0x6] =	wrdreg s0  }
0x11: {  	s18 =	sadd.s32 $0x2710, s6;
	s19 =	sadd.s32 $0x2BF2, s6;
	[dreg:$0x7] =	wrdreg s25  }
0x12: {  	s1 =	simm.s32 $0x17800;
	s8 =	simm.s32 $0x0;
	[dreg:$0x8] =	wrdreg s26  }
0x13: {  	v0 =	vimm.f32 $1.000000000e+00;
	v1 =	vimm.f32 $0.0e+00;
	s25 =	simm.s32 $0x3F80;
	s26 =	simm.s32 $0x6690;
	s0 =	simm.s32 $0x129E0  }
.LBB2_13:
0x14: {  	v2 =	vld [tilespmem:s9+$0x1C6F0];
	_ =	sdelay $0x4  }
0x15: {  	(erf) = vrcp.f32 v2;
	_ =	sdelay $0x8  }
0x16: {  	v2 =	vpop (erf)  }
0x17: {  	[tilespmem:s9+$0x1C6F0] =	vst v2;
	s9 =	rddreg [dreg:$0x3]  }
.LBB2_14:
0x18: {  	[spmem:s7] =	stream.linear.scatter [tilespmem:s20], [sflag:$0x2], $0x1870, $0x38;
	[tilespmem:$0x1DF70] =	vst v63  }
0x19: {  	_ =	swait.ge [sflag:s21], $0x1870  }
0x1a: {  	[sflag:s21] =	ssyncset.done $0x0  }
0x1b: {  	[sflag:s21] =	ssyncadd.s32 $0xFFFFE790  }
0x1c: {  	[bflag:$0x0] =	sbarrier.arrive $0xFFFF  }
0x1d: {  	[tilespmem:s24], [sflag:$0x1] =	stream.indirect.gather [spmem:s4], $0x1, s22, s23, $0xb8;
	[tilespmem:$0x1DF70] =	vst v63  }
0x1e: {  	_ =	swait.ge [sflag:s3], $0x2710  }
0x1f: {  	[sflag:s3] =	ssyncset.done $0x0  }
0x20: {  	s10 =	sadd.s32 s9, s6;
	[sflag:s3] =	ssyncadd.s32 $0xFFFFD8F0  }
0x21: {  	[hbm4b:s10+s5] =	stream.linear.scatter [tilespmem:s24], [sflag:$0x2], $0x2710, $0x38;
	[tilespmem:$0x1DF70] =	vst v63  }
0x22: {  	_ =	swait.ge [sflag:s21], $0x2710  }
0x23: {  	[sflag:s21] =	ssyncset.done $0x0  }
0x24: {  	[sflag:s21] =	ssyncadd.s32 $0xFFFFD8F0  }
0x25: {  	[tilespmem:s24], [sflag:$0x1] =	stream.indirect.gather [spmem:s4], $0x1, s25, s23, $0xb8;
	[tilespmem:$0x1DF70] =	vst v63  }
0x26: {  	_ =	swait.ge [sflag:s3], $0x2710  }
0x27: {  	[sflag:s3] =	ssyncset.done $0x0  }
0x28: {  	s10 =	sadd.s32 s9, s11;
	[sflag:s3] =	ssyncadd.s32 $0xFFFFD8F0  }
0x29: {  	[hbm4b:s10+s5] =	stream.linear.scatter [tilespmem:s24], [sflag:$0x2], $0x2710, $0x38;
	[tilespmem:$0x1DF70] =	vst v63  }
0x2a: {  	_ =	swait.ge [sflag:s21], $0x2710  }
0x2b: {  	[sflag:s21] =	ssyncset.done $0x0  }
0x2c: {  	[sflag:s21] =	ssyncadd.s32 $0xFFFFD8F0  }
0x2d: {  	[tilespmem:s24], [sflag:$0x1] =	stream.indirect.gather [spmem:s4], $0x1, s26, s23, $0xb8;
	[tilespmem:$0x1DF70] =	vst v63  }
0x2e: {  	_ =	swait.ge [sflag:s3], $0x2710  }
0x2f: {  	[sflag:s3] =	ssyncset.done $0x0  }
0x30: {  	s10 =	sadd.s32 s9, s12;
	[sflag:s3] =	ssyncadd.s32 $0xFFFFD8F0  }
0x31: {  	[hbm4b:s10+s5] =	stream.linear.scatter [tilespmem:s24], [sflag:$0x2], $0x2710, $0x38;
	[tilespmem:$0x1DF70] =	vst v63  }
0x32: {  	_ =	swait.ge [sflag:s21], $0x2710  }
0x33: {  	[sflag:s21] =	ssyncset.done $0x0  }
0x34: {  	[sflag:s21] =	ssyncadd.s32 $0xFFFFD8F0  }
0x35: {  	[tilespmem:s24], [sflag:$0x1] =	stream.indirect.gather [spmem:s4], $0x1, s28, s23, $0xb8;
	[tilespmem:$0x1DF70] =	vst v63  }
0x36: {  	_ =	swait.ge [sflag:s3], $0x2710  }
0x37: {  	[sflag:s3] =	ssyncset.done $0x0  }
0x38: {  	s10 =	sadd.s32 s9, s13;
	[sflag:s3] =	ssyncadd.s32 $0xFFFFD8F0  }
0x39: {  	[hbm4b:s10+s5] =	stream.linear.scatter [tilespmem:s24], [sflag:$0x2], $0x2710, $0x38;
	[tilespmem:$0x1DF70] =	vst v63  }
0x3a: {  	_ =	swait.ge [sflag:s21], $0x2710  }
0x3b: {  	[sflag:s21] =	ssyncset.done $0x0  }
0x3c: {  	[sflag:s21] =	ssyncadd.s32 $0xFFFFD8F0  }
0x3d: {  	[tilespmem:s24], [sflag:$0x1] =	stream.indirect.gather [spmem:s4], $0x1, s29, s23, $0xb8;
	[tilespmem:$0x1DF70] =	vst v63  }
0x3e: {  	_ =	swait.ge [sflag:s3], $0x2710  }
0x3f: {  	[sflag:s3] =	ssyncset.done $0x0  }
0x40: {  	s10 =	sadd.s32 s9, s14;
	[sflag:s3] =	ssyncadd.s32 $0xFFFFD8F0  }
0x41: {  	[hbm4b:s10+s5] =	stream.linear.scatter [tilespmem:s24], [sflag:$0x2], $0x2710, $0x38;
	[tilespmem:$0x1DF70] =	vst v63  }
0x42: {  	_ =	swait.ge [sflag:s21], $0x2710  }
0x43: {  	[sflag:s21] =	ssyncset.done $0x0  }
0x44: {  	[sflag:s21] =	ssyncadd.s32 $0xFFFFD8F0  }
0x45: {  	[tilespmem:s24], [sflag:$0x1] =	stream.indirect.gather [spmem:s4], $0x1, s30, s23, $0xb8;
	[tilespmem:$0x1DF70] =	vst v63  }
0x46: {  	_ =	swait.ge [sflag:s3], $0x2710  }
0x47: {  	[sflag:s3] =	ssyncset.done $0x0  }
0x48: {  	s10 =	sadd.s32 s9, s15;
	[sflag:s3] =	ssyncadd.s32 $0xFFFFD8F0  }
0x49: {  	[hbm4b:s10+s5] =	stream.linear.scatter [tilespmem:s24], [sflag:$0x2], $0x2710, $0x38;
	[tilespmem:$0x1DF70] =	vst v63  }
0x4a: {  	_ =	swait.ge [sflag:s21], $0x2710  }
0x4b: {  	[sflag:s21] =	ssyncset.done $0x0  }
0x4c: {  	[sflag:s21] =	ssyncadd.s32 $0xFFFFD8F0  }
0x4d: {  	[tilespmem:s24], [sflag:$0x1] =	stream.indirect.gather [spmem:s4], $0x1, s31, s23, $0xb8;
	[tilespmem:$0x1DF70] =	vst v63  }
0x4e: {  	_ =	swait.ge [sflag:s3], $0x2710  }
0x4f: {  	[sflag:s3] =	ssyncset.done $0x0  }
0x50: {  	s10 =	sadd.s32 s9, s16;
	[sflag:s3] =	ssyncadd.s32 $0xFFFFD8F0  }
0x51: {  	[hbm4b:s10+s5] =	stream.linear.scatter [tilespmem:s24], [sflag:$0x2], $0x2710, $0x38;
	[tilespmem:$0x1DF70] =	vst v63  }
0x52: {  	_ =	swait.ge [sflag:s21], $0x2710  }
0x53: {  	[sflag:s21] =	ssyncset.done $0x0  }
0x54: {  	[sflag:s21] =	ssyncadd.s32 $0xFFFFD8F0  }
0x55: {  	[tilespmem:s24], [sflag:$0x1] =	stream.indirect.gather [spmem:s4], $0x1, s0, s23, $0xb8;
	[tilespmem:$0x1DF70] =	vst v63  }
0x56: {  	_ =	swait.ge [sflag:s3], $0x2710  }
0x57: {  	[sflag:s3] =	ssyncset.done $0x0  }
0x58: {  	s10 =	sadd.s32 s9, s17;
	[sflag:s3] =	ssyncadd.s32 $0xFFFFD8F0  }
0x59: {  	[hbm4b:s10+s5] =	stream.linear.scatter [tilespmem:s24], [sflag:$0x2], $0x2710, $0x38;
	[tilespmem:$0x1DF70] =	vst v63  }
0x5a: {  	_ =	swait.ge [sflag:s21], $0x2710  }
0x5b: {  	[sflag:s21] =	ssyncset.done $0x0  }
0x5c: {  	[sflag:s21] =	ssyncadd.s32 $0xFFFFD8F0  }
0x5d: {  	[tilespmem:s24], [sflag:$0x1] =	stream.indirect.gather [spmem:s4], $0x1, s2, s23, $0xb8;
	[tilespmem:$0x1DF70] =	vst v63  }
0x5e: {  	_ =	swait.ge [sflag:s3], $0x2710  }
0x5f: {  	[sflag:s3] =	ssyncset.done $0x0  }
0x60: {  	s10 =	sadd.s32 s9, s18;
	[sflag:s3] =	ssyncadd.s32 $0xFFFFD8F0  }
0x61: {  	[hbm4b:s10+s5] =	stream.linear.scatter [tilespmem:s24], [sflag:$0x2], $0x2710, $0x38;
	[tilespmem:$0x1DF70] =	vst v63  }
0x62: {  	_ =	swait.ge [sflag:s21], $0x2710  }
0x63: {  	[sflag:s21] =	ssyncset.done $0x0  }
0x64: {  	[sflag:s21] =	ssyncadd.s32 $0xFFFFD8F0  }
0x65: {  	[tilespmem:s24], [sflag:$0x1] =	stream.indirect.gather [spmem:s4], $0x1, s1, s23, $0xb8;
	[tilespmem:$0x1DF70] =	vst v63  }
0x66: {  	_ =	swait.ge [sflag:s3], $0x2710  }
0x67: {  	[sflag:s3] =	ssyncset.done $0x0  }
0x68: {  	s10 =	sadd.s32 s9, s19;
	[sflag:s3] =	ssyncadd.s32 $0xFFFFD8F0  }
0x69: {  	[hbm4b:s10+s5] =	stream.linear.scatter [tilespmem:s24], [sflag:$0x2], $0x2710, $0x38;
	[tilespmem:$0x1DF70] =	vst v63  }
0x6a: {  	_ =	swait.ge [sflag:s21], $0x2710  }
0x6b: {  	s8 =	sadd.s32 $0x1, s8;
	s10 =	rddreg [dreg:$0x8]  }
0x6c: {  	p1 =	sne.s32 s8, s10  }
.Ltmp1:
0x6d: {  	_ = 	snop;
	(pc) =	sbr.rel @!p1 .LBB2_15-.Ltmp1, $3  }
0x6e: {  	_ =	sdelay $0x1  }
0x6f: {  	[sflag:s21] =	ssyncset.done $0x0  }
0x70: {  	[sflag:s21] =	ssyncadd.s32 $0xFFFFD8F0  }
.LBB2_1:
.Ltmp2:
0x71: {  	(pc) =	sbr.rel @!p0 .LBB2_2-.Ltmp2, $2  }
0x72: {  	_ =	sdelay $0x2  }
0x73: {  	s9 =	simm.s32 $0x0;
	s10 =	simm.s32 $0x0  }
.LBB2_8:
0x74: {  	p1 =	sne.s32 s10, $0x9C00  }
.Ltmp3:
0x75: {  	_ = 	snop;
	(pc) =	sbr.rel @p1 .LBB2_8-.Ltmp3, $3  }
0x76: {  	_ =	sdelay $0x1  }
0x77: {  	s9 =	sshra.s32 s10, $0x2  }
0x78: {  	s10 =	sadd.s32 $0x40, s10;
	[tilespmem:s9+$0x19F70] =	vst v0  }
0x79: {  	s9 =	simm.s32 $0x40;
	s10 =	simm.s32 $0x0  }
.LBB2_10:
0x7a: {  	p1 =	sne.s32 s9, $0x6180;
	[tilespmem:s10+$0x1C6F0] =	vst v1;
	s10 =	smov.u32 s9;
	s9 =	sadd.s32 $0x40, s9  }
.Ltmp4:
0x7b: {  	(pc) =	sbr.rel @p1 .LBB2_10-.Ltmp4, $2  }
0x7c: {  	_ =	sdelay $0x2  }
0x7d: {  	s10 =	sshra.s32 s10, $0x2  }
0x7e: {  	[tilespmem:s10+$0x1C6F0] =	vst v1  }
0x7f: {  	[spmem:s7] =	stream.linear.scatter [tilespmem:s20], [sflag:$0x2], $0x1870, $0x38;
	[tilespmem:$0x1DF70] =	vst v63  }
0x80: {  	_ =	swait.ge [sflag:s21], $0x1870  }
0x81: {  	[sflag:s21] =	ssyncset.done $0x0  }
0x82: {  	s9 =	simm.s32 $0x0;
	s10 =	rddreg [dreg:$0x7];
	[sflag:s21] =	ssyncadd.s32 $0xFFFFE790  }
0x83: {  	[tilespmem:s22], [sflag:$0x2] =	stream.linear.gather [hbm4b:s10+s9], $0x186A0, $0x38;
	[tilespmem:$0x1DF70] =	vst v63  }
0x84: {  	_ =	swait.ge [sflag:s21], $0x186A0  }
0x85: {  	[sflag:s21] =	ssyncset.done $0x0  }
0x86: {  	[sflag:s21] =	ssyncadd.s32 $0xFFFE7960  }
0x87: {  	[bflag:$0x0] =	sbarrier.arrive $0xFFFF  }
0x88: {  	[spmem:s4] =	stream.indirect.scatter.add.f32 [tilespmem:s24], [sflag:$0x2], $0x1, s22, s23, $0xb8;
	[tilespmem:$0x1DF70] =	vst v63  }
0x89: {  	_ =	swait.ge [sflag:s21], $0x2710  }
0x8a: {  	[sflag:s21] =	ssyncset.done $0x0  }
0x8b: {  	[sflag:s21] =	ssyncadd.s32 $0xFFFFD8F0  }
0x8c: {  	[spmem:s4] =	stream.indirect.scatter.add.f32 [tilespmem:s24], [sflag:$0x2], $0x1, s25, s23, $0xb8;
	[tilespmem:$0x1DF70] =	vst v63  }
0x8d: {  	_ =	swait.ge [sflag:s21], $0x2710  }
0x8e: {  	[sflag:s21] =	ssyncset.done $0x0  }
0x8f: {  	[sflag:s21] =	ssyncadd.s32 $0xFFFFD8F0  }
0x90: {  	[spmem:s4] =	stream.indirect.scatter.add.f32 [tilespmem:s24], [sflag:$0x2], $0x1, s26, s23, $0xb8;
	[tilespmem:$0x1DF70] =	vst v63  }
0x91: {  	_ =	swait.ge [sflag:s21], $0x2710  }
0x92: {  	[sflag:s21] =	ssyncset.done $0x0  }
0x93: {  	[sflag:s21] =	ssyncadd.s32 $0xFFFFD8F0  }
0x94: {  	[spmem:s4] =	stream.indirect.scatter.add.f32 [tilespmem:s24], [sflag:$0x2], $0x1, s28, s23, $0xb8;
	[tilespmem:$0x1DF70] =	vst v63  }
0x95: {  	_ =	swait.ge [sflag:s21], $0x2710  }
0x96: {  	[sflag:s21] =	ssyncset.done $0x0  }
0x97: {  	[sflag:s21] =	ssyncadd.s32 $0xFFFFD8F0  }
0x98: {  	[spmem:s4] =	stream.indirect.scatter.add.f32 [tilespmem:s24], [sflag:$0x2], $0x1, s29, s23, $0xb8;
	[tilespmem:$0x1DF70] =	vst v63  }
0x99: {  	_ =	swait.ge [sflag:s21], $0x2710  }
0x9a: {  	[sflag:s21] =	ssyncset.done $0x0  }
0x9b: {  	[sflag:s21] =	ssyncadd.s32 $0xFFFFD8F0  }
0x9c: {  	[spmem:s4] =	stream.indirect.scatter.add.f32 [tilespmem:s24], [sflag:$0x2], $0x1, s30, s23, $0xb8;
	[tilespmem:$0x1DF70] =	vst v63  }
0x9d: {  	_ =	swait.ge [sflag:s21], $0x2710  }
0x9e: {  	[sflag:s21] =	ssyncset.done $0x0  }
0x9f: {  	[sflag:s21] =	ssyncadd.s32 $0xFFFFD8F0  }
0xa0: {  	[spmem:s4] =	stream.indirect.scatter.add.f32 [tilespmem:s24], [sflag:$0x2], $0x1, s31, s23, $0xb8;
	[tilespmem:$0x1DF70] =	vst v63  }
0xa1: {  	_ =	swait.ge [sflag:s21], $0x2710  }
0xa2: {  	[sflag:s21] =	ssyncset.done $0x0  }
0xa3: {  	[sflag:s21] =	ssyncadd.s32 $0xFFFFD8F0  }
0xa4: {  	[spmem:s4] =	stream.indirect.scatter.add.f32 [tilespmem:s24], [sflag:$0x2], $0x1, s0, s23, $0xb8;
	[tilespmem:$0x1DF70] =	vst v63  }
0xa5: {  	_ =	swait.ge [sflag:s21], $0x2710  }
0xa6: {  	[sflag:s21] =	ssyncset.done $0x0  }
0xa7: {  	[sflag:s21] =	ssyncadd.s32 $0xFFFFD8F0  }
0xa8: {  	[spmem:s4] =	stream.indirect.scatter.add.f32 [tilespmem:s24], [sflag:$0x2], $0x1, s2, s23, $0xb8;
	[tilespmem:$0x1DF70] =	vst v63  }
0xa9: {  	_ =	swait.ge [sflag:s21], $0x2710  }
0xaa: {  	[sflag:s21] =	ssyncset.done $0x0  }
0xab: {  	[sflag:s21] =	ssyncadd.s32 $0xFFFFD8F0  }
0xac: {  	[spmem:s4] =	stream.indirect.scatter.add.f32 [tilespmem:s24], [sflag:$0x2], $0x1, s1, s23, $0xb8;
	[tilespmem:$0x1DF70] =	vst v63  }
0xad: {  	_ =	swait.ge [sflag:s21], $0x2710  }
0xae: {  	[sflag:s21] =	ssyncset.done $0x0  }
0xaf: {  	[sflag:s21] =	ssyncadd.s32 $0xFFFFD8F0  }
0xb0: {  	[bflag:$0x0] =	sbarrier.arrive $0xFFFF  }
0xb1: {  	[tilespmem:s20], [sflag:$0x2] =	stream.linear.gather [spmem:s7], $0x1870, $0x38;
	[tilespmem:$0x1DF70] =	vst v63  }
0xb2: {  	_ =	swait.ge [sflag:s21], $0x1870  }
0xb3: {  	[sflag:s21] =	ssyncset.done $0x0  }
0xb4: {  	s9 =	simm.s32 $0x0;
	s10 =	simm.s32 $0x40;
	[sflag:s21] =	ssyncadd.s32 $0xFFFFE790  }
.LBB2_12:
0xb5: {  	p1 =	sne.s32 s10, $0x6180;
	v2 =	vld [tilespmem:s9+$0x1C6F0];
	_ =	sdelay $0x4  }
0xb6: {  	(erf) = vrcp.f32 v2;
	_ =	sdelay $0x5  }
.Ltmp5:
0xb7: {  	(pc) =	sbr.rel @p1 .LBB2_12-.Ltmp5, $3  }
0xb8: {  	_ =	sdelay $0x1  }
0xb9: {  	v2 =	vpop (erf)  }
0xba: {  	[tilespmem:s9+$0x1C6F0] =	vst v2;
	s9 =	sshra.s32 s10, $0x2;
	s10 =	sadd.s32 $0x40, s10  }
.Ltmp6:
0xbb: {  	_ = 	snop;
	(pc) =	sbr.rel .LBB2_13-.Ltmp6, $1  }
0xbc: {  	_ =	sdelay $0x3  }
.LBB2_2:
0xbd: {  	p1 =	sne.s32 s9, $0x9C00  }
.Ltmp7:
0xbe: {  	_ = 	snop;
	(pc) =	sbr.rel @p1 .LBB2_2-.Ltmp7, $3  }
0xbf: {  	_ =	sdelay $0x1  }
0xc0: {  	s10 =	sshra.s32 s9, $0x2  }
0xc1: {  	s9 =	sadd.s32 $0x40, s9;
	[tilespmem:s10+$0x19F70] =	vst v0  }
0xc2: {  	s9 =	simm.s32 $0x40;
	s10 =	simm.s32 $0x0  }
.LBB2_4:
0xc3: {  	p1 =	sne.s32 s9, $0x6180;
	[tilespmem:s10+$0x1C6F0] =	vst v1;
	s10 =	smov.u32 s9;
	s9 =	sadd.s32 $0x40, s9  }
.Ltmp8:
0xc4: {  	(pc) =	sbr.rel @p1 .LBB2_4-.Ltmp8, $2  }
0xc5: {  	_ =	sdelay $0x2  }
0xc6: {  	s10 =	sshra.s32 s10, $0x2  }
0xc7: {  	[tilespmem:s10+$0x1C6F0] =	vst v1  }
0xc8: {  	[spmem:s7] =	stream.linear.scatter [tilespmem:s20], [sflag:$0x2], $0x1870, $0x38;
	[tilespmem:$0x1DF70] =	vst v63  }
0xc9: {  	_ =	swait.ge [sflag:s21], $0x1870  }
0xca: {  	[sflag:s21] =	ssyncset.done $0x0  }
0xcb: {  	s9 =	simm.s32 $0x0;
	s10 =	rddreg [dreg:$0x6];
	[sflag:s21] =	ssyncadd.s32 $0xFFFFE790  }
0xcc: {  	[tilespmem:s22], [sflag:$0x2] =	stream.linear.gather [hbm4b:s10+s9], $0x186A0, $0x38;
	[tilespmem:$0x1DF70] =	vst v63  }
0xcd: {  	_ =	swait.ge [sflag:s21], $0x186A0  }
0xce: {  	[sflag:s21] =	ssyncset.done $0x0  }
0xcf: {  	[sflag:s21] =	ssyncadd.s32 $0xFFFE7960  }
0xd0: {  	[bflag:$0x0] =	sbarrier.arrive $0xFFFF  }
0xd1: {  	[spmem:s4] =	stream.indirect.scatter.add.f32 [tilespmem:s24], [sflag:$0x2], $0x1, s22, s23, $0xb8;
	[tilespmem:$0x1DF70] =	vst v63  }
0xd2: {  	_ =	swait.ge [sflag:s21], $0x2710  }
0xd3: {  	[sflag:s21] =	ssyncset.done $0x0  }
0xd4: {  	[sflag:s21] =	ssyncadd.s32 $0xFFFFD8F0  }
0xd5: {  	[spmem:s4] =	stream.indirect.scatter.add.f32 [tilespmem:s24], [sflag:$0x2], $0x1, s25, s23, $0xb8;
	[tilespmem:$0x1DF70] =	vst v63  }
0xd6: {  	_ =	swait.ge [sflag:s21], $0x2710  }
0xd7: {  	[sflag:s21] =	ssyncset.done $0x0  }
0xd8: {  	[sflag:s21] =	ssyncadd.s32 $0xFFFFD8F0  }
0xd9: {  	[spmem:s4] =	stream.indirect.scatter.add.f32 [tilespmem:s24], [sflag:$0x2], $0x1, s26, s23, $0xb8;
	[tilespmem:$0x1DF70] =	vst v63  }
0xda: {  	_ =	swait.ge [sflag:s21], $0x2710  }
0xdb: {  	[sflag:s21] =	ssyncset.done $0x0  }
0xdc: {  	[sflag:s21] =	ssyncadd.s32 $0xFFFFD8F0  }
0xdd: {  	[spmem:s4] =	stream.indirect.scatter.add.f32 [tilespmem:s24], [sflag:$0x2], $0x1, s28, s23, $0xb8;
	[tilespmem:$0x1DF70] =	vst v63  }
0xde: {  	_ =	swait.ge [sflag:s21], $0x2710  }
0xdf: {  	[sflag:s21] =	ssyncset.done $0x0  }
0xe0: {  	[sflag:s21] =	ssyncadd.s32 $0xFFFFD8F0  }
0xe1: {  	[spmem:s4] =	stream.indirect.scatter.add.f32 [tilespmem:s24], [sflag:$0x2], $0x1, s29, s23, $0xb8;
	[tilespmem:$0x1DF70] =	vst v63  }
0xe2: {  	_ =	swait.ge [sflag:s21], $0x2710  }
0xe3: {  	[sflag:s21] =	ssyncset.done $0x0  }
0xe4: {  	[sflag:s21] =	ssyncadd.s32 $0xFFFFD8F0  }
0xe5: {  	[spmem:s4] =	stream.indirect.scatter.add.f32 [tilespmem:s24], [sflag:$0x2], $0x1, s30, s23, $0xb8;
	[tilespmem:$0x1DF70] =	vst v63  }
0xe6: {  	_ =	swait.ge [sflag:s21], $0x2710  }
0xe7: {  	[sflag:s21] =	ssyncset.done $0x0  }
0xe8: {  	[sflag:s21] =	ssyncadd.s32 $0xFFFFD8F0  }
0xe9: {  	[spmem:s4] =	stream.indirect.scatter.add.f32 [tilespmem:s24], [sflag:$0x2], $0x1, s31, s23, $0xb8;
	[tilespmem:$0x1DF70] =	vst v63  }
0xea: {  	_ =	swait.ge [sflag:s21], $0x2710  }
0xeb: {  	[sflag:s21] =	ssyncset.done $0x0  }
0xec: {  	[sflag:s21] =	ssyncadd.s32 $0xFFFFD8F0  }
0xed: {  	[spmem:s4] =	stream.indirect.scatter.add.f32 [tilespmem:s24], [sflag:$0x2], $0x1, s0, s23, $0xb8;
	[tilespmem:$0x1DF70] =	vst v63  }
0xee: {  	_ =	swait.ge [sflag:s21], $0x2710  }
0xef: {  	[sflag:s21] =	ssyncset.done $0x0  }
0xf0: {  	[sflag:s21] =	ssyncadd.s32 $0xFFFFD8F0  }
0xf1: {  	[spmem:s4] =	stream.indirect.scatter.add.f32 [tilespmem:s24], [sflag:$0x2], $0x1, s2, s23, $0xb8;
	[tilespmem:$0x1DF70] =	vst v63  }
0xf2: {  	_ =	swait.ge [sflag:s21], $0x2710  }
0xf3: {  	[sflag:s21] =	ssyncset.done $0x0  }
0xf4: {  	[sflag:s21] =	ssyncadd.s32 $0xFFFFD8F0  }
0xf5: {  	[spmem:s4] =	stream.indirect.scatter.add.f32 [tilespmem:s24], [sflag:$0x2], $0x1, s1, s23, $0xb8;
	[tilespmem:$0x1DF70] =	vst v63  }
0xf6: {  	_ =	swait.ge [sflag:s21], $0x2710  }
0xf7: {  	[sflag:s21] =	ssyncset.done $0x0  }
0xf8: {  	[sflag:s21] =	ssyncadd.s32 $0xFFFFD8F0  }
0xf9: {  	[bflag:$0x0] =	sbarrier.arrive $0xFFFF  }
0xfa: {  	[tilespmem:s20], [sflag:$0x2] =	stream.linear.gather [spmem:s7], $0x1870, $0x38;
	[tilespmem:$0x1DF70] =	vst v63  }
0xfb: {  	_ =	swait.ge [sflag:s21], $0x1870  }
0xfc: {  	[sflag:s21] =	ssyncset.done $0x0  }
0xfd: {  	s9 =	simm.s32 $0x0;
	s10 =	simm.s32 $0x40;
	[sflag:s21] =	ssyncadd.s32 $0xFFFFE790  }
.LBB2_6:
0xfe: {  	p1 =	seq.s32 s10, $0x6180;
	v2 =	vld [tilespmem:s9+$0x1C6F0];
	_ =	sdelay $0x4  }
0xff: {  	(erf) = vrcp.f32 v2;
	_ =	sdelay $0x5  }
.Ltmp9:
0x100: {  	(pc) =	sbr.rel @!p1 .LBB2_6-.Ltmp9, $3  }
0x101: {  	_ =	sdelay $0x1  }
0x102: {  	v2 =	vpop (erf)  }
0x103: {  	[tilespmem:s9+$0x1C6F0] =	vst v2;
	s9 =	sshra.s32 s10, $0x2;
	s10 =	sadd.s32 $0x40, s10  }
0x104: {  	v2 =	vld [tilespmem:s9+$0x1C6F0];
	_ =	sdelay $0x4  }
0x105: {  	(erf) = vrcp.f32 v2;
	_ =	sdelay $0x5  }
.Ltmp10:
0x106: {  	_ = 	snop;
	(pc) =	sbr.rel .LBB2_14-.Ltmp10, $3  }
0x107: {  	_ =	sdelay $0x1  }
0x108: {  	v2 =	vpop (erf)  }
0x109: {  	[tilespmem:s9+$0x1C6F0] =	vst v2;
	s9 =	rddreg [dreg:$0x2]  }
.LBB2_15:
0x10a: {  	_ =	sfence.sel $0x180000  }
0x10b: {  	[bflag:$0x0] =	sbarrier.arrive $0xFFFF  }
0x10c: {  	_ =	strace $0x90000047  }
0x10d: {  	s0 =	stileid.u32;
	[bflag:$0x2] =	sbarrier.arrive $0xFFFF  }
0x10e: {  	p0 =	sne.s32 s0, $0x0;
	s0 =	rddreg [dreg:$0x5]  }
0x10f: {  	s0 =	sadd.s32 @!p0 $0x100000, s0  }
0x110: {  	[sflag:s0] =	ssyncadd.tile.s32 @!p0 $0x1;
	_ =	shalt  }
.Lfunc_end2:
_tile_overlayer_lowered:
.L_overlay_start_2:
0x111: {  	(tag) =	ssettag $0x2  }
0x112: {  	s0 =	rddreg [dreg:$0x0];
	s2 =	stileid.u32  }
0x113: {  	s1 =	rddreg [dreg:$0x1];
	p0 =	sne.s32 s2, $0x0  }
0x114: {  	s3 =	rddreg [dreg:$0x2];
	[bflag:$0x3] =	sbarrier.arrive $0xFFFF;
	s2 =	simm.s32 @!p0 $0x1C02  }
0x115: {  	[timem:s3], [sflag:s2] =	dma.local @!p0 [hbm:s0], s1  }
0x116: {  	s0 =	simm.s32 @!p0 $0x2  }
0x117: {  	_ =	swait.ge @!p0 [sflag:s0], s1  }
0x118: {  	s1 =	ssub.s32 @!p0 $0x0, s1;
	[sflag:s0] =	ssyncset.done @!p0 $0x0  }
0x119: {  	[sflag:s0] =	ssyncadd.s32 @!p0 s1  }
0x11a: {  	[bflag:$0x3] =	sbarrier.arrive $0xFFFF  }
0x11b: {  	_ =	shalt  }

</sc_bundles>
